<compile_context>
chip_gen: v7x
topology: tpu7x:2x2x1
jax: 0.10.2.dev20260603
libtpu: 0.0.44.dev20260713+nightly
codegen_flags: <defaults>
</compile_context>

<pallas_src>
import jax
import jax.numpy as jnp
from jax import lax
from jax.experimental import pallas as pl
from jax.experimental.pallas import tpu as pltpu
from jax.experimental.pallas import tpu_sc as plsc

B = 16384
W = 100
RB = 1024
GRID = B // RB
OR = RB // 128

NC = 2
NS = 16
L = 16
NW = NC * NS
EPT = B // NW
GROUPS = EPT // L


def _tc_body(p_ref, t_ref, scale_ref, jidx_ref):
    p = p_ref[...]
    t = t_ref[...]
    colsf = lax.broadcasted_iota(jnp.int32, (RB, W), 1).astype(jnp.float32)
    m = jnp.max(p, axis=1, keepdims=True)
    pre = jnp.min(jnp.where(p == m, colsf, float(W - 1)), axis=1)
    tm = jnp.max(t, axis=1, keepdims=True)
    tar = jnp.min(jnp.where(t == tm, colsf, float(W - 1)), axis=1)
    ones = jnp.ones((W, 1), jnp.float32)
    sumexp = lax.dot_general(
        jnp.exp(p), ones, (((1,), (0,)), ((), ())),
        preferred_element_type=jnp.float32,
    )[:, 0]
    scale = jnp.where(pre != tar, jnp.exp(m[:, 0]) / sumexp, 0.0)
    scale_ref[...] = scale.reshape(OR, 128)
    jidx_ref[...] = (tar * W + pre).reshape(OR, 128).astype(jnp.int32)


def _sc_body(scale_hbm, jidx_hbm, pm_hbm, out_hbm, sbuf, jbuf, pmbuf, obuf):
    wid = lax.axis_index("s") * NC + lax.axis_index("c")
    base = wid * EPT
    pltpu.sync_copy(pm_hbm, pmbuf)
    pltpu.sync_copy(scale_hbm.at[pl.ds(base, EPT)], sbuf)
    pltpu.sync_copy(jidx_hbm.at[pl.ds(base, EPT)], jbuf)

    def group_body(g, acc):
        o = g * L
        idxv = jbuf[pl.ds(o, L)]
        scv = sbuf[pl.ds(o, L)]
        pmv = plsc.load_gather(pmbuf, [idxv])
        return acc + pmv * scv

    acc = lax.fori_loop(0, GROUPS, group_body, jnp.zeros((L,), jnp.float32))
    obuf[...] = acc
    pltpu.sync_copy(obuf, out_hbm.at[wid])


def kernel(predict, target, penalty_matrix):
    scale2d, jidx2d = pl.pallas_call(
        _tc_body,
        grid=(GRID,),
        in_specs=[
            pl.BlockSpec((RB, W), lambda i: (i, 0)),
            pl.BlockSpec((RB, W), lambda i: (i, 0)),
        ],
        out_specs=[
            pl.BlockSpec((OR, 128), lambda i: (i, 0)),
            pl.BlockSpec((OR, 128), lambda i: (i, 0)),
        ],
        out_shape=[
            jax.ShapeDtypeStruct((B // 128, 128), jnp.float32),
            jax.ShapeDtypeStruct((B // 128, 128), jnp.int32),
        ],
    )(predict, target)

    mesh = plsc.VectorSubcoreMesh(core_axis_name="c", subcore_axis_name="s")
    partials = pl.kernel(
        _sc_body,
        out_type=jax.ShapeDtypeStruct((NW, L), jnp.float32),
        mesh=mesh,
        scratch_types=[
            pltpu.VMEM((EPT,), jnp.float32),
            pltpu.VMEM((EPT,), jnp.int32),
            pltpu.VMEM((W * W,), jnp.float32),
            pltpu.VMEM((L,), jnp.float32),
        ],
        compiler_params=pltpu.CompilerParams(needs_layout_passes=False),
    )(scale2d.reshape(-1), jidx2d.reshape(-1), penalty_matrix.reshape(-1))
    return jnp.sum(partials) / B

# --- scband reference (transcript-rebuilt; emitter-appended) ---
"""Pipeline reference for scband-cross-entropy-loss-weight3-1211180778080 (READ-ONLY COPY).

The authoritative reference and input builder live on the scoring server;
editing this copy changes nothing except your own understanding.
"""

import jax, jax.numpy as jnp
import numpy as np


def _build_penalty_matrix(counts_list):
    counts = np.array(counts_list, dtype=np.float64)
    pm = np.maximum(counts[:, None], counts[None, :]) / (counts[:, None] + counts[None, :])
    np.fill_diagonal(pm, 1.0)
    return jnp.asarray(pm, dtype=jnp.float32)


def setup_inputs(seed: int = 0) -> dict:
    key = jax.random.key(seed)
    k1, k2 = jax.random.split(key)
    B, W = 16384, 100
    predict = jax.random.normal(k1, (B, W), dtype=jnp.float32)
    target = jax.random.uniform(k2, (B, W), dtype=jnp.float32)
    labels_num_count = [100 + i for i in range(W)]
    penalty_matrix = _build_penalty_matrix(labels_num_count)
    return {"predict": predict, "target": target, "penalty_matrix": penalty_matrix}


def reference(predict, target, penalty_matrix):
    B, W = predict.shape
    # 'logpredict' in the original is actually softmax(predict)
    ex = jnp.exp(predict)
    logpredict = ex / jnp.sum(ex, axis=-1, keepdims=True)
    preids = jnp.argmax(predict, axis=-1)
    tarids = jnp.argmax(target, axis=-1)
    # In the torch code, scatter_ first writes 1 at preids, then the loop
    # overwrites that same position: penalty_matrix[tar, pre] if mismatch else 0.
    vals = jnp.where(preids != tarids, penalty_matrix[tarids, preids], jnp.zeros_like(penalty_matrix[tarids, preids]))
    predict_onehot = jnp.zeros_like(predict).at[jnp.arange(B), preids].set(vals)
    loss = jnp.mean(jnp.sum(predict_onehot * logpredict, axis=-1))
    return loss

if __name__ == "__main__":
    import jax
    _d = setup_inputs()
    print(jax.jit(kernel)(*tuple(_d.values())))

</pallas_src>

<mosaic_0001>
#map = affine_map<(d0, d1) -> (0)>
#map1 = affine_map<(d0, d1) -> (0, 0)>
module attributes {stable_mosaic.version = 14 : i64} {
  func.func @_sc_body(%arg0: i32, %arg1: i32, %arg2: memref<16384xf32, #tpu.memory_space<hbm>>, %arg3: memref<16384xi32, #tpu.memory_space<hbm>>, %arg4: memref<10000xf32, #tpu.memory_space<hbm>>, %arg5: memref<32x16xf32, #tpu.memory_space<hbm>>, %arg6: memref<512xf32, #tpu.memory_space<vmem>>, %arg7: memref<512xi32, #tpu.memory_space<vmem>>, %arg8: memref<10000xf32, #tpu.memory_space<vmem>>, %arg9: memref<16xf32, #tpu.memory_space<vmem>>) attributes {dimension_semantics = [#tpu.dimension_semantics<core_parallel>, #tpu.dimension_semantics<subcore_parallel>], iteration_bounds = array<i64: 2, 16>, scalar_prefetch = 0 : i64, scratch_operands = 4 : i64, tpu.core_type = #tpu.core_type<sc_vector_subcore>, window_params = [{transform_indices = #map}, {transform_indices = #map}, {transform_indices = #map}, {transform_indices = #map1}]} {
    %mul3A = arith.constant 2 : i32
    %mul3A_0 = arith.muli %arg1, %mul3A : i32
    %add3A = arith.addi %mul3A_0, %arg0 : i32
    %mul3A_1 = arith.constant 512 : i32
    %mul3A_2 = arith.muli %add3A, %mul3A_1 : i32
    "tpu.region"() ({
      %run_scoped3A = tpu.sem_alloc : memref<!tpu.dma_semaphore, #tpu.memory_space<semaphore_mem>>
      tpu.enqueue_dma source(%arg4 : memref<10000xf32, #tpu.memory_space<hbm>>) target(%arg8 : memref<10000xf32, #tpu.memory_space<vmem>>) target_semaphore(%run_scoped3A : memref<!tpu.dma_semaphore, #tpu.memory_space<semaphore_mem>>)
      tpu.wait_dma2 semaphore(%run_scoped3A : memref<!tpu.dma_semaphore, #tpu.memory_space<semaphore_mem>>) src(%arg4 : memref<10000xf32, #tpu.memory_space<hbm>>) dst(%arg8 : memref<10000xf32, #tpu.memory_space<vmem>>)
      tpu.yield
    }) : () -> ()
    "tpu.region"() ({
      %run_scoped3A = tpu.sem_alloc : memref<!tpu.dma_semaphore, #tpu.memory_space<semaphore_mem>>
      %dma_start3A = tpu.memref_slice %arg2[%mul3A_2] : memref<16384xf32, #tpu.memory_space<hbm>> -> memref<512xf32, #tpu.memory_space<hbm>>
      %dma_start3A_10 = tpu.memref_slice %arg2[%mul3A_2] : memref<16384xf32, #tpu.memory_space<hbm>> -> memref<512xf32, #tpu.memory_space<hbm>>
      tpu.enqueue_dma source(%dma_start3A_10 : memref<512xf32, #tpu.memory_space<hbm>>) target(%arg6 : memref<512xf32, #tpu.memory_space<vmem>>) target_semaphore(%run_scoped3A : memref<!tpu.dma_semaphore, #tpu.memory_space<semaphore_mem>>)
      %dma_wait3A = tpu.memref_slice %arg2[%mul3A_2] : memref<16384xf32, #tpu.memory_space<hbm>> -> memref<512xf32, #tpu.memory_space<hbm>>
      %dma_wait3A_11 = tpu.memref_slice %arg2[%mul3A_2] : memref<16384xf32, #tpu.memory_space<hbm>> -> memref<512xf32, #tpu.memory_space<hbm>>
      tpu.wait_dma2 semaphore(%run_scoped3A : memref<!tpu.dma_semaphore, #tpu.memory_space<semaphore_mem>>) src(%dma_wait3A_11 : memref<512xf32, #tpu.memory_space<hbm>>) dst(%arg6 : memref<512xf32, #tpu.memory_space<vmem>>)
      tpu.yield
    }) : () -> ()
    "tpu.region"() ({
      %run_scoped3A = tpu.sem_alloc : memref<!tpu.dma_semaphore, #tpu.memory_space<semaphore_mem>>
      %dma_start3A = tpu.memref_slice %arg3[%mul3A_2] : memref<16384xi32, #tpu.memory_space<hbm>> -> memref<512xi32, #tpu.memory_space<hbm>>
      %dma_start3A_10 = tpu.memref_slice %arg3[%mul3A_2] : memref<16384xi32, #tpu.memory_space<hbm>> -> memref<512xi32, #tpu.memory_space<hbm>>
      tpu.enqueue_dma source(%dma_start3A_10 : memref<512xi32, #tpu.memory_space<hbm>>) target(%arg7 : memref<512xi32, #tpu.memory_space<vmem>>) target_semaphore(%run_scoped3A : memref<!tpu.dma_semaphore, #tpu.memory_space<semaphore_mem>>)
      %dma_wait3A = tpu.memref_slice %arg3[%mul3A_2] : memref<16384xi32, #tpu.memory_space<hbm>> -> memref<512xi32, #tpu.memory_space<hbm>>
      %dma_wait3A_11 = tpu.memref_slice %arg3[%mul3A_2] : memref<16384xi32, #tpu.memory_space<hbm>> -> memref<512xi32, #tpu.memory_space<hbm>>
      tpu.wait_dma2 semaphore(%run_scoped3A : memref<!tpu.dma_semaphore, #tpu.memory_space<semaphore_mem>>) src(%dma_wait3A_11 : memref<512xi32, #tpu.memory_space<hbm>>) dst(%arg7 : memref<512xi32, #tpu.memory_space<vmem>>)
      tpu.yield
    }) : () -> ()
    %broadcast_in_dim3A = arith.constant 0.000000e+00 : f32
    %broadcast_in_dim3A_3 = vector.broadcast %broadcast_in_dim3A : f32 to vector<16xf32>
    %scan3A = arith.constant 0 : i32
    %scan3A_4 = arith.constant 32 : i32
    %scan3A_5 = arith.addi %scan3A, %scan3A_4 : i32
    %scan3A_6 = arith.constant 1 : i32
    %scan3A_7 = scf.for %scan3A_10 = %scan3A to %scan3A_5 step %scan3A_6 iter_args(%scan3A_11 = %broadcast_in_dim3A_3) -> (vector<16xf32>)  : i32 {
      %mul3A_12 = arith.constant 16 : i32
      %mul3A_13 = arith.muli %scan3A_10, %mul3A_12 : i32
      %get3A = arith.index_cast %mul3A_13 : i32 to index
      %get3A_14 = tpu.vector_load %arg7[%get3A] {strides = array<i32>} : memref<512xi32, #tpu.memory_space<vmem>>, vector<16xi32>,
      %get3A_15 = arith.index_cast %mul3A_13 : i32 to index
      %get3A_16 = tpu.vector_load %arg6[%get3A_15] {strides = array<i32>} : memref<512xf32, #tpu.memory_space<vmem>>, vector<16xf32>,
      %gather3A = tpu.vector_load_idx %arg8[%get3A_14] : memref<10000xf32, #tpu.memory_space<vmem>>[vector<16xi32>], vector<16xf32>,
      %mul3A_17 = arith.mulf %gather3A, %get3A_16 : vector<16xf32>
      %add3A_18 = arith.addf %scan3A_11, %mul3A_17 : vector<16xf32>
      scf.yield %add3A_18 : vector<16xf32>
    }
    %scan3A_8 = arith.constant 32 : i32
    %swap3A = arith.constant 0 : index
    %swap3A_9 = tpu.vector_load %arg9[%swap3A] {strides = array<i32>} : memref<16xf32, #tpu.memory_space<vmem>>, vector<16xf32>,
    tpu.vector_store %arg9[%swap3A], %scan3A_7 {strides = array<i32>} : memref<16xf32, #tpu.memory_space<vmem>>, vector<16xf32>,
    "tpu.region"() ({
      %run_scoped3A = tpu.sem_alloc : memref<!tpu.dma_semaphore, #tpu.memory_space<semaphore_mem>>
      %dma_start3A = arith.constant 0 : i32
      %dma_start3A_10 = tpu.memref_slice %arg5[%add3A, %dma_start3A] : memref<32x16xf32, #tpu.memory_space<hbm>> -> memref<1x16xf32, #tpu.memory_space<hbm>>
      %dma_start3A_11 = tpu.memref_squeeze %dma_start3A_10 : memref<1x16xf32, #tpu.memory_space<hbm>> -> memref<16xf32, #tpu.memory_space<hbm>>
      %dma_start3A_12 = arith.constant 0 : i32
      %dma_start3A_13 = tpu.memref_slice %arg5[%add3A, %dma_start3A_12] : memref<32x16xf32, #tpu.memory_space<hbm>> -> memref<1x16xf32, #tpu.memory_space<hbm>>
      %dma_start3A_14 = tpu.memref_squeeze %dma_start3A_13 : memref<1x16xf32, #tpu.memory_space<hbm>> -> memref<16xf32, #tpu.memory_space<hbm>>
      tpu.enqueue_dma source(%arg9 : memref<16xf32, #tpu.memory_space<vmem>>) target(%dma_start3A_14 : memref<16xf32, #tpu.memory_space<hbm>>) target_semaphore(%run_scoped3A : memref<!tpu.dma_semaphore, #tpu.memory_space<semaphore_mem>>)
      %dma_wait3A = arith.constant 0 : i32
      %dma_wait3A_15 = tpu.memref_slice %arg5[%add3A, %dma_wait3A] : memref<32x16xf32, #tpu.memory_space<hbm>> -> memref<1x16xf32, #tpu.memory_space<hbm>>
      %dma_wait3A_16 = tpu.memref_squeeze %dma_wait3A_15 : memref<1x16xf32, #tpu.memory_space<hbm>> -> memref<16xf32, #tpu.memory_space<hbm>>
      %dma_wait3A_17 = arith.constant 0 : i32
      %dma_wait3A_18 = tpu.memref_slice %arg5[%add3A, %dma_wait3A_17] : memref<32x16xf32, #tpu.memory_space<hbm>> -> memref<1x16xf32, #tpu.memory_space<hbm>>
      %dma_wait3A_19 = tpu.memref_squeeze %dma_wait3A_18 : memref<1x16xf32, #tpu.memory_space<hbm>> -> memref<16xf32, #tpu.memory_space<hbm>>
      tpu.wait_dma2 semaphore(%run_scoped3A : memref<!tpu.dma_semaphore, #tpu.memory_space<semaphore_mem>>) src(%arg9 : memref<16xf32, #tpu.memory_space<vmem>>) dst(%dma_wait3A_19 : memref<16xf32, #tpu.memory_space<hbm>>)
      tpu.yield
    }) : () -> ()
    return
  }
}

module attributes {stable_mosaic.version = 14 : i64} {
  func.func @_tc_body(%arg0: i32, %arg1: memref<1024x100xf32, #tpu.memory_space<vmem>>, %arg2: memref<1024x100xf32, #tpu.memory_space<vmem>>, %arg3: memref<8x128xf32, #tpu.memory_space<vmem>>, %arg4: memref<8x128xi32, #tpu.memory_space<vmem>>) attributes {dimension_semantics = [#tpu.dimension_semantics<arbitrary>], iteration_bounds = array<i64: 16>, scalar_prefetch = 0 : i64, scratch_operands = 0 : i64, tpu.core_type = #tpu.core_type<tc>, window_params = [{transform_indices = @transform_0, window_bounds = array<i64: 1024, 100>}, {transform_indices = @transform_1, window_bounds = array<i64: 1024, 100>}, {transform_indices = @transform_2, window_bounds = array<i64: 8, 128>}, {transform_indices = @transform_3, window_bounds = array<i64: 8, 128>}]} {
    %get3A = arith.constant 0 : index
    %get3A_0 = arith.constant 0 : index
    %get3A_1 = vector.load %arg1[%get3A, %get3A_0] : memref<1024x100xf32, #tpu.memory_space<vmem>>, vector<1024x100xf32>
    %get3A_2 = arith.constant 0 : index
    %get3A_3 = arith.constant 0 : index
    %get3A_4 = vector.load %arg2[%get3A_2, %get3A_3] : memref<1024x100xf32, #tpu.memory_space<vmem>>, vector<1024x100xf32>
    %iota3A = tpu.iota {dimensions = array<i32: 1>} : vector<1024x100xi32>
    %convert_element_type3A = arith.sitofp %iota3A : vector<1024x100xi32> to vector<1024x100xf32>
    %reduce_max3A = arith.constant dense<0xFF800000> : vector<1024xf32>
    %reduce_max3A_5 = vector.multi_reduction <maximumf>, %get3A_1, %reduce_max3A [1] : vector<1024x100xf32> to vector<1024xf32>
    %broadcast_in_dim3A = vector.shape_cast %reduce_max3A_5 : vector<1024xf32> to vector<1024x1xf32>
    %eq3A = vector.broadcast %broadcast_in_dim3A : vector<1024x1xf32> to vector<1024x100xf32>
    %eq3A_6 = arith.cmpf oeq, %get3A_1, %eq3A : vector<1024x100xf32>
    %jit3A = arith.constant 9.900000e+01 : f32
    %broadcast_in_dim3A_7 = vector.broadcast %jit3A : f32 to vector<1024x100xf32>
    %select_n3A = arith.select %eq3A_6, %convert_element_type3A, %broadcast_in_dim3A_7 : vector<1024x100xi1>, vector<1024x100xf32>
    %reduce_min3A = arith.constant dense<0x7F800000> : vector<1024xf32>
    %reduce_min3A_8 = vector.multi_reduction <minimumf>, %select_n3A, %reduce_min3A [1] : vector<1024x100xf32> to vector<1024xf32>
    %reduce_max3A_9 = arith.constant dense<0xFF800000> : vector<1024xf32>
    %reduce_max3A_10 = vector.multi_reduction <maximumf>, %get3A_4, %reduce_max3A_9 [1] : vector<1024x100xf32> to vector<1024xf32>
    %broadcast_in_dim3A_11 = vector.shape_cast %reduce_max3A_10 : vector<1024xf32> to vector<1024x1xf32>
    %eq3A_12 = vector.broadcast %broadcast_in_dim3A_11 : vector<1024x1xf32> to vector<1024x100xf32>
    %eq3A_13 = arith.cmpf oeq, %get3A_4, %eq3A_12 : vector<1024x100xf32>
    %jit3A_14 = arith.constant 9.900000e+01 : f32
    %broadcast_in_dim3A_15 = vector.broadcast %jit3A_14 : f32 to vector<1024x100xf32>
    %select_n3A_16 = arith.select %eq3A_13, %convert_element_type3A, %broadcast_in_dim3A_15 : vector<1024x100xi1>, vector<1024x100xf32>
    %reduce_min3A_17 = arith.constant dense<0x7F800000> : vector<1024xf32>
    %reduce_min3A_18 = vector.multi_reduction <minimumf>, %select_n3A_16, %reduce_min3A_17 [1] : vector<1024x100xf32> to vector<1024xf32>
    %broadcast_in_dim3A_19 = arith.constant 1.000000e+00 : f32
    %broadcast_in_dim3A_20 = vector.broadcast %broadcast_in_dim3A_19 : f32 to vector<100x1xf32>
    %exp3A = math.exp %get3A_1 : vector<1024x100xf32>
    %dot_general3A = arith.constant dense<0.000000e+00> : vector<1024x1xf32>
    %dot_general3A_21 = tpu.matmul %exp3A, %broadcast_in_dim3A_20, %dot_general3A {dimension_numbers = #tpu.dot_dimension_numbers<[1], [0], [0], [1], [0, 0, 1, 1], [], []>, transpose_lhs_hint = false} : vector<1024x100xf32>, vector<100x1xf32>, vector<1024x1xf32> -> vector<1024x1xf32>
    %squeeze3A = vector.shape_cast %dot_general3A_21 : vector<1024x1xf32> to vector<1024xf32>
    %ne3A = arith.cmpf one, %reduce_min3A_8, %reduce_min3A_18 : vector<1024xf32>
    %squeeze3A_22 = vector.shape_cast %broadcast_in_dim3A : vector<1024x1xf32> to vector<1024xf32>
    %exp3A_23 = math.exp %squeeze3A_22 : vector<1024xf32>
    %div3A = arith.divf %exp3A_23, %squeeze3A : vector<1024xf32>
    %jit3A_24 = arith.constant 0.000000e+00 : f32
    %broadcast_in_dim3A_25 = vector.broadcast %jit3A_24 : f32 to vector<1024xf32>
    %select_n3A_26 = arith.select %ne3A, %div3A, %broadcast_in_dim3A_25 : vector<1024xi1>, vector<1024xf32>
    %reshape3A = vector.shape_cast %select_n3A_26 : vector<1024xf32> to vector<8x128xf32>
    %swap3A = arith.constant 0 : index
    %swap3A_27 = arith.constant 0 : index
    %swap3A_28 = vector.load %arg3[%swap3A, %swap3A_27] : memref<8x128xf32, #tpu.memory_space<vmem>>, vector<8x128xf32>
    tpu.vector_store %arg3[%swap3A, %swap3A_27], %reshape3A {strides = array<i32>} : memref<8x128xf32, #tpu.memory_space<vmem>>, vector<8x128xf32>,
    %mul3A = arith.constant 1.000000e+02 : f32
    %mul3A_29 = vector.broadcast %mul3A : f32 to vector<1024xf32>
    %mul3A_30 = arith.mulf %reduce_min3A_18, %mul3A_29 : vector<1024xf32>
    %add3A = arith.addf %mul3A_30, %reduce_min3A_8 : vector<1024xf32>
    %reshape3A_31 = vector.shape_cast %add3A : vector<1024xf32> to vector<8x128xf32>
    %convert_element_type3A_32 = arith.fptosi %reshape3A_31 : vector<8x128xf32> to vector<8x128xi32>
    %swap3A_33 = arith.constant 0 : index
    %swap3A_34 = arith.constant 0 : index
    %swap3A_35 = vector.load %arg4[%swap3A_33, %swap3A_34] : memref<8x128xi32, #tpu.memory_space<vmem>>, vector<8x128xi32>
    tpu.vector_store %arg4[%swap3A_33, %swap3A_34], %convert_element_type3A_32 {strides = array<i32>} : memref<8x128xi32, #tpu.memory_space<vmem>>, vector<8x128xi32>,
    return
  }
  func.func @transform_0(%arg0: i32) -> (i32, i32) {
    %c0_i32 = arith.constant 0 : i32
    %c0_i32_0 = arith.constant 0 : i32
    return %arg0, %c0_i32 : i32, i32
  }
  func.func @transform_1(%arg0: i32) -> (i32, i32) {
    %c0_i32 = arith.constant 0 : i32
    %c0_i32_0 = arith.constant 0 : i32
    return %arg0, %c0_i32 : i32, i32
  }
  func.func @transform_2(%arg0: i32) -> (i32, i32) {
    %c0_i32 = arith.constant 0 : i32
    %c0_i32_0 = arith.constant 0 : i32
    return %arg0, %c0_i32 : i32, i32
  }
  func.func @transform_3(%arg0: i32) -> (i32, i32) {
    %c0_i32 = arith.constant 0 : i32
    %c0_i32_0 = arith.constant 0 : i32
    return %arg0, %c0_i32 : i32, i32
  }
}

</mosaic_0001>

<sc_bundles>
// kernel: kernel.4.cloned.1.call-start
scs
__scs_entry_jumppad:
0x0: {  	(pc) =	sbr.rel $0x88, $3  }
0x1: {  	(tag) =	ssettag $0x0;
	lr =	simm.s32 $0x1  }
0x2: {  	[smem:$0x3F9E] =	sst lr;
	_ =	strace $0xD0000000  }
0x3: {  	_ = 	snop  }
0x4: {  	_ = 	snop  }
0x5: {  	_ = 	snop  }
0x6: {  	_ = 	snop  }
0x7: {  	_ = 	snop  }
__scs_overlays_trampoline_lowered:
0x8: {  	[smem:$0x3FAD] =	sst s0  }
0x9: {  	[smem:$0x3FAE] =	sst s1  }
0xa: {  	[smem:$0x3FAF] =	sst s2  }
0xb: {  	[smem:$0x3FB0] =	sst s3  }
0xc: {  	[smem:$0x3FB1] =	sst s4  }
0xd: {  	[smem:$0x3FB2] =	sst s5  }
0xe: {  	[smem:$0x3FB3] =	sst s6  }
0xf: {  	[smem:$0x3FB4] =	sst s7  }
0x10: {  	[smem:$0x3FB5] =	sst s8  }
0x11: {  	[smem:$0x3FB6] =	sst s9;
	s0 =	simm.s32 @!p0 $0x0  }
0x12: {  	s1 =	sld [smem:$0x3F9C];
	s0 =	simm.s32 @p0 $0x1  }
0x13: {  	[smem:$0x3FB7] =	sst s0;
	s0 =	simm.s32 @!p1 $0x0  }
0x14: {  	s2 =	sld [smem:$0x3F9B];
	s0 =	simm.s32 @p1 $0x1  }
0x15: {  	[smem:$0x3FB8] =	sst s0;
	s0 =	simm.s32 @!p2 $0x0  }
0x16: {  	s3 =	sld [smem:$0x3FDB];
	s0 =	simm.s32 @p2 $0x1  }
0x17: {  	s4 =	simm.s32 $0x1BF5;
	[smem:$0x3FBA] =	sst s0  }
0x18: {  	s0 =	sld [smem:$0x3F9D];
	_ =	swait.ge [sflag:s4], $0x0  }
0x19: {  	s7 =	sld [smem:$0x3F9E]  }
0x1a: {  	s8 =	sadd.s32 $0xFFFFE003, lr  }
0x1b: {  	s9 =	sadd.s32 $0xFFFFFEF7, lr;
	s5 =	simm.s32 $0xFFFFFFFF;
	p2 =	slt.u32 s8, $0xFFFFF086  }
0x1c: {  	p1 =	slt.u32 s9, $0xF7A;
	s5 =	simm.s32 @!p2 $0x0  }
0x1d: {  	s5 =	simm.s32 @p1 $0x1;
	p0 =	seq.s32 s7, s2  }
0x1e: {  	s7 =	smul.u32 @!p0 $0xF7A, s2;
	p2 =	seq.s32 @!p0 s5, $0x0  }
0x1f: {  	s9 =	smul.u32 $0xF7A, s1;
	s8 =	simm.s32 @!p0 $0x1BF5;
	p2 =	por !p2, p0  }
0x20: {  	[sflag:s8] =	ssyncset.s32 @!p0 $0xFFFFF086;
	s6 =	sadd.s32 @!p0 s3, s7;
	s7 =	simm.s32 @!p0 $0x108  }
0x21: {  	s3 =	sadd.s32 s3, s9;
	s6 =	sadd.s32 @!p0 $0x88, s6;
	s7 =	simm.s32 @p2 $0x1082  }
0x22: {  	[simem:s7], [sflag:s8] =	dma.local @!p0 [hbm:s6], $0xF7A  }
0x23: {  	s9 =	sor.u32 $0xD0000000, s2;
	s6 =	simm.s32 $0x108;
	_ =	swait.ge @!p0 [sflag:s8], $0x0  }
0x24: {  	s3 =	sadd.s32 $0x88, s3;
	s6 =	simm.s32 @!p1 $0x1082;
	[sflag:s4] =	ssyncset.s32 $0xFFFFF086  }
0x25: {  	[simem:s6], [sflag:s4] =	dma.local [hbm:s3], $0xF7A  }
0x26: {  	[smem:$0x3F9E] =	sst s1;
	(tag) =	ssettag s2;
	_ =	strace s9  }
0x27: {  	s1 =	sld [smem:$0x3FAE]  }
0x28: {  	s2 =	sld [smem:$0x3FAF]  }
0x29: {  	s4 =	sld [smem:$0x3FB1]  }
0x2a: {  	p0 =	seq.s32 s5, $0x0;
	s5 =	sld [smem:$0x3FB2]  }
0x2b: {  	s6 =	sld [smem:$0x3FB3]  }
0x2c: {  	s7 =	sld [smem:$0x3FB4]  }
0x2d: {  	s3 =	simm.s32 $0x108;
	s8 =	sld [smem:$0x3FB5]  }
0x2e: {  	s3 =	simm.s32 @!p0 $0x1082;
	s9 =	sld [smem:$0x3FB6]  }
0x2f: {  	lr =	sadd.s32 s0, s3;
	s0 =	sld [smem:$0x3FAD]  }
0x30: {  	s3 =	sld [smem:$0x3FB0]  }
0x31: {  	[smem:$0x3FB9] =	sst s10  }
0x32: {  	s10 =	sld [smem:$0x3FB7];
	_ =	sdelay $0x3  }
0x33: {  	p0 =	seq.s32 s10, $0x1;
	s10 =	sld [smem:$0x3FB9];
	_ =	sdelay $0x3  }
0x34: {  	[smem:$0x3FB9] =	sst s10  }
0x35: {  	s10 =	sld [smem:$0x3FB8];
	_ =	sdelay $0x3  }
0x36: {  	p1 =	seq.s32 s10, $0x1;
	s10 =	sld [smem:$0x3FB9];
	_ =	sdelay $0x3  }
0x37: {  	[smem:$0x3FB9] =	sst s10  }
0x38: {  	s10 =	sld [smem:$0x3FBA]  }
0x39: {  	_ = 	snop;
	(pc) =	sbr.ind lr, $3  }
0x3a: {  	_ = 	snop  }
0x3b: {  	_ = 	snop  }
0x3c: {  	p2 =	seq.s32 s10, $0x1;
	s10 =	sld [smem:$0x3FB9]  }
0x3d: {  	_ =	shalt  }
0x3e: {  	_ =	shalt  }
0x3f: {  	_ =	shalt  }
0x40: {  	_ =	shalt  }
0x41: {  	_ =	shalt  }
0x42: {  	_ =	shalt  }
0x43: {  	_ =	shalt  }
0x44: {  	_ =	shalt  }
0x45: {  	_ =	shalt  }
0x46: {  	_ =	shalt  }
0x47: {  	_ =	shalt  }
0x48: {  	_ =	shalt  }
0x49: {  	_ =	shalt  }
0x4a: {  	_ =	shalt  }
0x4b: {  	_ =	shalt  }
0x4c: {  	_ =	shalt  }
0x4d: {  	_ =	shalt  }
0x4e: {  	_ =	shalt  }
0x4f: {  	_ =	shalt  }
0x50: {  	_ =	shalt  }
0x51: {  	_ =	shalt  }
0x52: {  	_ =	shalt  }
0x53: {  	_ =	shalt  }
0x54: {  	_ =	shalt  }
0x55: {  	_ =	shalt  }
0x56: {  	_ =	shalt  }
0x57: {  	_ =	shalt  }
0x58: {  	_ =	shalt  }
0x59: {  	_ =	shalt  }
0x5a: {  	_ =	shalt  }
0x5b: {  	_ =	shalt  }
0x5c: {  	_ =	shalt  }
0x5d: {  	_ =	shalt  }
0x5e: {  	_ =	shalt  }
0x5f: {  	_ =	shalt  }
0x60: {  	_ =	shalt  }
0x61: {  	_ =	shalt  }
0x62: {  	_ =	shalt  }
0x63: {  	_ =	shalt  }
0x64: {  	_ =	shalt  }
0x65: {  	_ =	shalt  }
0x66: {  	_ =	shalt  }
0x67: {  	_ =	shalt  }
0x68: {  	_ =	shalt  }
0x69: {  	_ =	shalt  }
0x6a: {  	_ =	shalt  }
0x6b: {  	_ =	shalt  }
0x6c: {  	_ =	shalt  }
0x6d: {  	_ =	shalt  }
0x6e: {  	_ =	shalt  }
0x6f: {  	_ =	shalt  }
0x70: {  	_ =	shalt  }
0x71: {  	_ =	shalt  }
0x72: {  	_ =	shalt  }
0x73: {  	_ =	shalt  }
0x74: {  	_ =	shalt  }
0x75: {  	_ =	shalt  }
0x76: {  	_ =	shalt  }
0x77: {  	_ =	shalt  }
0x78: {  	_ =	shalt  }
0x79: {  	_ =	shalt  }
0x7a: {  	_ =	shalt  }
0x7b: {  	_ =	shalt  }
0x7c: {  	_ =	shalt  }
0x7d: {  	_ =	shalt  }
0x7e: {  	_ =	shalt  }
0x7f: {  	_ =	shalt  }
0x80: {  	_ =	shalt  }
0x81: {  	_ =	shalt  }
0x82: {  	_ =	shalt  }
0x83: {  	_ =	shalt  }
0x84: {  	_ =	shalt  }
0x85: {  	_ =	shalt  }
0x86: {  	_ =	shalt  }
0x87: {  	_ =	shalt  }
.Lfunc_end0:
.L_simem_size_0:
called_computation_lowered:
.L_overlay_start_0:
0x88: {  	s2 =	sld [smem:$0x3FD9]  }
0x89: {  	s3 =	sld [smem:$0x3FFE];
	_ =	sdelay $0x1  }
0x8a: {  	s1 =	srdreg.scid  }
0x8b: {  	s0 =	sand.u32 $0x1, s1  }
0x8c: {  	s16 =	sshll.u32 s0, $0xA;
	s2 =	sadd.s32 s3, s2  }
0x8d: {  	s2 =	sadd.s32 s2, s16  }
0x8e: {  	[smem:$0x3FC5] =	sst s2  }
0x8f: {  	_ = 	snop  }
0x90: {  	(tm) =	ssettm $0x1  }
0x91: {  	s17 =	sld [smem:$0x3FFB];
	_ =	sdelay $0x3  }
0x92: {  	_ =	strace s17  }
0x93: {  	s2 =	sld [smem:$0x3FFC];
	_ =	sdelay $0x3  }
0x94: {  	_ =	strace s2  }
0x95: {  	s2 =	sld [smem:$0x3FFD];
	_ =	sdelay $0x3  }
0x96: {  	_ =	strace s2  }
0x97: {  	_ =	strace $0x8FFFFFFF  }
0x98: {  	s18 =	sld [smem:$0x3FDB];
	_ =	sdelay $0x1  }
0x99: {  	s19 =	simm.s32 $_scs_section_size  }
0x9a: {  	s4 =	simm.s32 $_size__tile_overlayer_lowered;
	s5 =	simm.s32 $_tile_overlayer_lowered  }
0x9b: {  	s22 =	simm.s32 $0x1BFF;
	s21 =	sshll.u32 s5, $0x1;
	s2 =	sadd.s32 s19, s18  }
0x9c: {  	s6 =	simm.s32 $0x0;
	s20 =	sshll.u32 s4, $0x1;
	s4 =	sadd.s32 s21, s2  }
0x9d: {  	[timem:s6], [sflag:s22] =	dma.local [hbm:s4], s20  }
0x9e: {  	_ =	swait.ge [sflag:s22], s20  }
0x9f: {  	s3 =	ssub.s32 $0x0, s20;
	[sflag:s22] =	ssyncset.done $0x0  }
0xa0: {  	[sflag:s22] =	ssyncadd.s32 s3;
	_ =	sdelay $0x1  }
0xa1: {  	s23 =	simm.s32 $0x1B8B  }
0xa2: {  	_ =	swait.ge [sflag:s23], $0x1  }
0xa3: {  	[sflag:s23] =	ssyncset.done $0x0  }
0xa4: {  	s25 =	simm.s32 $0x1B8E;
	s24 =	sld [smem:$0x3FFE];
	[sflag:s23] =	ssyncadd.s32 $0xFFFFFFFF  }
0xa5: {  	s26 =	simm.s32 $execute0_lowered;
	[smem:$0x3FD2] =	sst s25  }
0xa6: {  	s4 =	sshll.u32 s26, $0x1;
	_ =	strace $0x80000046;
	[dreg:$0x1] =	wrdreg $0xFFFFFFFF  }
0xa7: {  	s28 =	simm.s32 $_size_execute0_lowered;
	s2 =	sadd.s32 s2, s4;
	[dreg:$0x0] =	wrdreg $0x0  }
0xa8: {  	s4 =	sshll.u32 s28, $0x1;
	[dreg:$0x2] =	wrdreg s2  }
0xa9: {  	[dreg:$0x3] =	wrdreg s4  }
0xaa: {  	[dreg:$0x4] =	wrdreg $0xC0  }
0xab: {  	_ =	task [dreg:s6], $0x5FFFF  }
0xac: {  	[dreg:$0x1] =	wrdreg $0xFFFFFFFF  }
0xad: {  	[dreg:$0x0] =	wrdreg $0x60  }
0xae: {  	[dreg:$0x2] =	wrdreg s24  }
0xaf: {  	[dreg:$0x3] =	wrdreg $0x9  }
0xb0: {  	_ =	task.clear_ibuf [dreg:s6], $0x4FFFF;
	_ =	strace $0x90000046  }
0xb1: {  	s29 =	simm.s32 $0x9;
	_ =	strace $0x80000048  }
0xb2: {  	_ =	swait.ge [sflag:s29], $0x1  }
0xb3: {  	[sflag:s29] =	ssyncadd.s32 $0xFFFFFFFF  }
0xb4: {  	_ =	strace $0x90000048  }
0xb5: {  	_ =	sfence  }
0xb6: {  	s30 =	sld [smem:$0x0];
	_ =	sdelay $0x2  }
0xb7: {  	s31 =	sshll.u32 s1, $0xD;
	s1 =	sshrl.u32 s1, $0x2  }
0xb8: {  	s3 =	sand.u32 $0x4000, s31;
	s1 =	sadd.s32 s1, s30  }
0xb9: {  	s0 =	sor.u32 s3, s0;
	s1 =	sshll.u32 s1, $0x11  }
0xba: {  	s0 =	sor.u32 s1, s0  }
0xbb: {  	s0 =	sadd.s32 $0x8F2B, s0  }
0xbc: {  	[sflag:s0] =	ssyncadd.remote.s32 $0x1  }
0xbd: {  	_ =	sfence.sel $0xFFFF  }
0xbe: {  	[dreg:$0x0] =	wrdreg $0xFFFFFFFF;
	(pc) =	sbr.abs _section_cstart, $3  }
0xbf: {  	[dreg:$0x1] =	wrdreg $0xFFFFFFFF  }
0xc0: {  	_ =	task.clear_ibuf [dreg:s6], $0x2FFFF;
	_ =	strace $0x9FFFFFFF  }
0xc1: {  	(tm) =	ssettm $0x7FFFFFFF  }
tec
execute0_lowered:
.L_overlay_start_1:
0x0: {  	(tag) =	ssettag $0x1  }
0x1: {  	s4 =	rddreg [dreg:$0x0]  }
0x2: {  	s0 =	rddreg [dreg:$0x1];
	s3 =	srdreg.scid  }
0x3: {  	s1 =	stileid.u32;
	s2 =	simm.s32 $0x0;
	s10 =	simm.s32 $0x200  }
0x4: {  	s11 =	simm.s32 $0x2B80;
	s3 =	sand.u32 $0x1, s3;
	s5 =	sshll.u32 s1, $0x1  }
0x5: {  	s12 =	simm.s32 $0x0;
	[smem:$0x7FF] =	sst s2;
	s5 =	sor.u32 s3, s5  }
0x6: {  	_ =	strace $0x80000047;
	s7 =	ssub.s32 $0x2, s3;
	s3 =	sadd.s32 $0x1000, s4  }
0x7: {  	s6 =	sshll.u32 s5, $0x6;
	s5 =	sshll.u32 s5, $0x4;
	s8 =	sshrl.u32 s7, $0x1  }
0x8: {  	s6 =	sadd.s32 s6, s4;
	s9 =	sadd.s32 s5, s4;
	s7 =	ssub.s32 s7, s8  }
0x9: {  	s8 =	simm.s32 $0x400;
	s4 =	sadd.s32 $0x1600, s6;
	s5 =	sadd.s32 $0x1E00, s6  }
0xa: {  	s6 =	sadd.s32 $0x2600, s9;
	s7 =	smax.u32 s7, $0x1;
	s9 =	simm.s32 $0x1  }
.LBB2_1:
0xb: {  	[tilespmem:s8], [sflag:$0x1] =	stream.linear.gather [hbm4b:s3+s2], $0x2780, $0x38;
	[tilespmem:$0x2C00] =	vst v63  }
0xc: {  	_ =	swait.ge [sflag:s9], $0x2780  }
0xd: {  	[sflag:s9] =	ssyncset.done $0x0  }
0xe: {  	[sflag:s9] =	ssyncadd.s32 $0xFFFFD880  }
0xf: {  	[tilespmem:s2], [sflag:$0x1] =	stream.linear.gather [hbm4b:s4+s2], $0x200, $0x38;
	[tilespmem:$0x2C00] =	vst v63  }
0x10: {  	_ =	swait.ge [sflag:s9], $0x200  }
0x11: {  	[sflag:s9] =	ssyncset.done $0x0  }
0x12: {  	[sflag:s9] =	ssyncadd.s32 $0xFFFFFE00  }
0x13: {  	[tilespmem:s10], [sflag:$0x1] =	stream.linear.gather [hbm4b:s5+s2], $0x200, $0x38;
	[tilespmem:$0x2C00] =	vst v63  }
0x14: {  	_ =	swait.ge [sflag:s9], $0x200  }
0x15: {  	[sflag:s9] =	ssyncset.done $0x0  }
0x16: {  	s13 =	simm.s32 $0x0;
	[sflag:s9] =	ssyncadd.s32 $0xFFFFFE00  }
0x17: {  	v2 =	vld [tilespmem:s13+$0x200];
	_ =	sdelay $0x6  }
0x18: {  	v1 =	vld [tilespmem:s13+$0x0]  }
0x19: {  	v0 =	vimm.f32 $0.0e+00;
	s14 =	simm.s32 $0x80;
	s13 =	simm.s32 $0x10;
	v2 =	vld.idx.msk [tilespmem:v2+s8+$0x0], $0xffff  }
.LBB2_2:
0x1a: {  	p0 =	sne.s32 s14, $0x7C0;
	v3 =	vld [tilespmem:s13+$0x200];
	_ =	sdelay $0x3  }
.Ltmp0:
0x1b: {  	(pc) =	sbr.rel @p0 .LBB2_2-.Ltmp0, $3  }
0x1c: {  	v2 =	vmul.f32 v2, v1;
	_ =	sdelay $0x1  }
0x1d: {  	v0 =	vadd.f32 v2, v0;
	v1 =	vld [tilespmem:s13+$0x0]  }
0x1e: {  	s13 =	sshra.s32 s14, $0x2;
	s14 =	sadd.s32 $0x40, s14;
	v2 =	vld.idx.msk [tilespmem:v3+s8+$0x0], $0xffff  }
0x1f: {  	v3 =	vld [tilespmem:s13+$0x200];
	_ =	sdelay $0x6  }
0x20: {  	v4 =	vld [tilespmem:s13+$0x0]  }
0x21: {  	v3 =	vld.idx.msk [tilespmem:v3+s8+$0x0], $0xffff;
	_ =	sdelay $0x2  }
0x22: {  	v1 =	vmul.f32 v2, v1;
	_ =	sdelay $0x1  }
0x23: {  	v0 =	vadd.f32 v1, v0;
	v63 =	vmul.f32 v3, v4;
	_ =	sdelay $0x1  }
0x24: {  	s12 =	sadd.s32 $0x1, s12;
	v0 =	vadd.f32 v63, v0  }
0x25: {  	p0 =	sne.s32 s12, s7  }
.Ltmp1:
0x26: {  	[tilespmem:$0x2B80] =	vst v0;
	(pc) =	sbr.rel @p0 .LBB2_1-.Ltmp1, $4  }
0x27: {  	[hbm4b:s6+s2] =	stream.linear.scatter [tilespmem:s11], [sflag:$0x1], $0x80, $0x38;
	[tilespmem:$0x2C00] =	vst v63  }
0x28: {  	_ =	swait.ge [sflag:s9], $0x80  }
0x29: {  	[sflag:s9] =	ssyncset.done $0x0  }
0x2a: {  	[sflag:s9] =	ssyncadd.s32 $0xFFFFFF80  }
0x2b: {  	_ =	sfence.sel $0x180000  }
0x2c: {  	[bflag:$0x0] =	sbarrier.arrive $0xFFFF  }
0x2d: {  	p0 =	sne.s32 s1, $0x0;
	_ =	strace $0x90000047  }
0x2e: {  	s0 =	sadd.s32 @!p0 $0x100000, s0;
	[bflag:$0x2] =	sbarrier.arrive $0xFFFF  }
0x2f: {  	[sflag:s0] =	ssyncadd.tile.s32 @!p0 $0x1;
	_ =	shalt  }
.Lfunc_end2:
_tile_overlayer_lowered:
.L_overlay_start_2:
0x30: {  	(tag) =	ssettag $0x2  }
0x31: {  	s0 =	rddreg [dreg:$0x0];
	s2 =	stileid.u32  }
0x32: {  	s1 =	rddreg [dreg:$0x1];
	p0 =	sne.s32 s2, $0x0  }
0x33: {  	s3 =	rddreg [dreg:$0x2];
	[bflag:$0x3] =	sbarrier.arrive $0xFFFF;
	s2 =	simm.s32 @!p0 $0x1C01  }
0x34: {  	[timem:s3], [sflag:s2] =	dma.local @!p0 [hbm:s0], s1  }
0x35: {  	s0 =	simm.s32 @!p0 $0x1  }
0x36: {  	_ =	swait.ge @!p0 [sflag:s0], s1  }
0x37: {  	s1 =	ssub.s32 @!p0 $0x0, s1;
	[sflag:s0] =	ssyncset.done @!p0 $0x0  }
0x38: {  	[sflag:s0] =	ssyncadd.s32 @!p0 s1  }
0x39: {  	[bflag:$0x3] =	sbarrier.arrive $0xFFFF  }
0x3a: {  	_ =	shalt  }

</sc_bundles>
